<compile_context>
chip_gen: v7x
topology: tpu7x:2x2x1
jax: 0.10.2.dev20260603
libtpu: 0.0.44.dev20260713+nightly
codegen_flags: <defaults>
</compile_context>

<pallas_src>
import functools

import jax
import jax.numpy as jnp
from jax import lax
from jax.experimental import pallas as pl
from jax.experimental.pallas import tpu as pltpu
from jax.experimental.pallas import tpu_sc as plsc

N_NODES = 10000
N_GRAPHS = 128
EMB = 64
HEADS = 2
LAYERS = 3
EPS_GEN = 1e-7
EPS_LN = 1e-5

NTOT = N_NODES + N_GRAPHS
NCORE = 2
NSUB = 16
NW = NCORE * NSUB
NTP = 10240
NTP2 = 2 * NTP
RPT = NTP // NSUB
CPT = NTP2 // NSUB
B = 128
SB = 2048
NEG = -1e30

def _get_mesh():
    return plsc.VectorSubcoreMesh(core_axis_name="c", subcore_axis_name="s")


def _wid(cid, sid):
    return cid * NSUB + sid


@functools.partial(jax.jit, static_argnames=("D", "EP"))
def _sc_scatter_add(rows, idx, zeros, *, D, EP):
    ept = EP // NW
    nch = ept // B

    @functools.partial(
        pl.kernel,
        out_type=jax.ShapeDtypeStruct((NCORE, NTP, D), jnp.float32),
        mesh=_get_mesh(),
        compiler_params=pltpu.CompilerParams(use_tc_tiling_on_sc=False, needs_layout_passes=False),
        scratch_types=[
            pltpu.MemorySpace.VMEM((B,), jnp.int32),
            pltpu.MemorySpace.VMEM((B, D), jnp.float32),
            pltpu.MemorySpace.VMEM_SHARED((NTP, D), jnp.float32),
        ],
    )
    def k(rows_hbm, idx_hbm, z_hbm, out_hbm, idxv, buf, acc):
        cid = lax.axis_index("c")
        sid = lax.axis_index("s")
        r0 = sid * RPT
        pltpu.sync_copy(z_hbm.at[pl.ds(r0, RPT)], acc.at[pl.ds(r0, RPT)])
        plsc.subcore_barrier()

        def body(ci, _):
            base = _wid(cid, sid) * ept + ci * B
            pltpu.sync_copy(idx_hbm.at[pl.ds(base, B)], idxv)
            pltpu.sync_copy(rows_hbm.at[pl.ds(base, B)], buf)
            pltpu.sync_copy(buf, acc.at[idxv], add=True)
            return 0

        lax.fori_loop(0, nch, body, 0)
        plsc.subcore_barrier()
        pltpu.sync_copy(acc.at[pl.ds(r0, RPT)], out_hbm.at[cid, pl.ds(r0, RPT)])

    return k(rows, idx, zeros)


@functools.partial(jax.jit, static_argnames=("EP",))
def _sc_gen(on, e, src, dst, zeros, *, EP):
    D = EMB
    ept = EP // NW
    nch = ept // B

    @functools.partial(
        pl.kernel,
        out_type=jax.ShapeDtypeStruct((NCORE, NTP, D), jnp.float32),
        mesh=_get_mesh(),
        compiler_params=pltpu.CompilerParams(use_tc_tiling_on_sc=False, needs_layout_passes=False),
        scratch_types=[
            pltpu.MemorySpace.VMEM((2, B), jnp.int32),
            pltpu.MemorySpace.VMEM((2, B), jnp.int32),
            pltpu.MemorySpace.VMEM((2, B, D), jnp.float32),
            pltpu.MemorySpace.VMEM((2, B, D), jnp.float32),
            pltpu.MemorySpace.VMEM((2, B, D), jnp.float32),
            pltpu.MemorySpace.VMEM_SHARED((NTP, D), jnp.float32),
            pltpu.SemaphoreType.DMA,
            pltpu.SemaphoreType.DMA,
        ],
    )
    def k(on_hbm, e_hbm, src_hbm, dst_hbm, z_hbm, out_hbm,
          sv, dv, rows, ebuf, stage, acc, sg0, sg1):
        cid = lax.axis_index("c")
        sid = lax.axis_index("s")
        r0 = sid * RPT
        ebase = _wid(cid, sid) * ept
        npair = nch // 2
        sems = (sg0, sg1)
        pltpu.sync_copy(z_hbm.at[pl.ds(r0, RPT)], acc.at[pl.ds(r0, RPT)])
        plsc.subcore_barrier()

        def fire(t, base):
            pltpu.sync_copy(src_hbm.at[pl.ds(base, B)], sv.at[t])
            pltpu.sync_copy(dst_hbm.at[pl.ds(base, B)], dv.at[t])
            pltpu.async_copy(on_hbm.at[sv.at[t]], rows.at[t], sems[t])
            pltpu.async_copy(e_hbm.at[pl.ds(base, B)], ebuf.at[t], sems[t])

        def wait_fire(t):
            pltpu.make_async_copy(
                on_hbm.at[sv.at[t]], rows.at[t], sems[t]).wait()
            pltpu.make_async_copy(
                e_hbm.at[pl.ds(0, B)], ebuf.at[t], sems[t]).wait()

        def compute(t):
            def ebody(i, _):
                for j in range(D // 16):
                    s = pl.ds(16 * j, 16)
                    stage[t, i, s] = (
                        jnp.maximum(rows[t, i, s] + ebuf[t, i, s], 0.0)
                        + EPS_GEN)
                return 0

            lax.fori_loop(0, B, ebody, 0)
            pltpu.sync_copy(stage.at[t], acc.at[dv.at[t]], add=True)

        fire(0, ebase)
        fire(1, ebase + B)

        def body(p, _):
            b0 = ebase + 2 * p * B
            wait_fire(0)
            compute(0)

            @pl.when(2 * p + 2 < nch)
            def _():
                fire(0, b0 + 2 * B)

            wait_fire(1)
            compute(1)

            @pl.when(2 * p + 3 < nch)
            def _():
                fire(1, b0 + 3 * B)

            return 0

        lax.fori_loop(0, npair, body, 0)
        plsc.subcore_barrier()
        pltpu.sync_copy(acc.at[pl.ds(r0, RPT)], out_hbm.at[cid, pl.ds(r0, RPT)])

    return k(on, e, src, dst, zeros)


@functools.partial(jax.jit, static_argnames=("EP",))
def _sc_gather_qkv(q, kv, src, dst, *, EP):
    D = HEADS * EMB
    ept = EP // NW
    nch = ept // B
    sds = jax.ShapeDtypeStruct((EP, D), jnp.float32)
    sds2 = jax.ShapeDtypeStruct((EP, 2 * D), jnp.float32)

    @functools.partial(
        pl.kernel,
        out_type=(sds, sds2),
        mesh=_get_mesh(),
        compiler_params=pltpu.CompilerParams(needs_layout_passes=False),
        scratch_types=[
            pltpu.MemorySpace.VMEM((2, B), jnp.int32),
            pltpu.MemorySpace.VMEM((2, B), jnp.int32),
            pltpu.MemorySpace.VMEM((2, B, D), jnp.float32),
            pltpu.MemorySpace.VMEM((2, B, 2 * D), jnp.float32),
            pltpu.SemaphoreType.DMA,
            pltpu.SemaphoreType.DMA,
            pltpu.SemaphoreType.DMA,
            pltpu.SemaphoreType.DMA,
        ],
    )
    def k(q_hbm, kv_hbm, src_hbm, dst_hbm, qd_hbm, ksvs_hbm,
          sv, dv, qbuf, kvbuf, sg0, sg1, sw0, sw1):
        cid = lax.axis_index("c")
        sid = lax.axis_index("s")
        ebase = _wid(cid, sid) * ept
        npair = nch // 2

        def fire_gather(t, base, sg):
            pltpu.sync_copy(src_hbm.at[pl.ds(base, B)], sv.at[t])
            pltpu.sync_copy(dst_hbm.at[pl.ds(base, B)], dv.at[t])
            pltpu.async_copy(q_hbm.at[dv.at[t]], qbuf.at[t], sg)
            pltpu.async_copy(kv_hbm.at[sv.at[t]], kvbuf.at[t], sg)

        def wait_gather(t, sg):
            pltpu.make_async_copy(q_hbm.at[dv.at[t]], qbuf.at[t], sg).wait()
            pltpu.make_async_copy(kv_hbm.at[sv.at[t]], kvbuf.at[t], sg).wait()

        def fire_wb(t, base, sw):
            pltpu.async_copy(qbuf.at[t], qd_hbm.at[pl.ds(base, B)], sw)
            pltpu.async_copy(kvbuf.at[t], ksvs_hbm.at[pl.ds(base, B)], sw)

        def wait_wb(t, base, sw):
            pltpu.make_async_copy(
                qbuf.at[t], qd_hbm.at[pl.ds(base, B)], sw).wait()
            pltpu.make_async_copy(
                kvbuf.at[t], ksvs_hbm.at[pl.ds(base, B)], sw).wait()

        fire_gather(0, ebase, sg0)

        def body(p, _):
            b0 = ebase + 2 * p * B
            b1 = b0 + B
            wait_gather(0, sg0)

            @pl.when(p > 0)
            def _():
                wait_wb(1, b0 - B, sw1)

            fire_gather(1, b1, sg1)
            fire_wb(0, b0, sw0)
            wait_gather(1, sg1)
            wait_wb(0, b0, sw0)

            @pl.when(p + 1 < npair)
            def _():
                fire_gather(0, b0 + 2 * B, sg0)

            fire_wb(1, b1, sw1)
            return 0

        lax.fori_loop(0, npair, body, 0)
        wait_wb(1, ebase + (nch - 1) * B, sw1)

    return k(q, kv, src, dst)


@functools.partial(jax.jit, static_argnames=("EP2",))
def _sc_seg_max(logits, dsth, *, EP2):
    ept2 = EP2 // NW
    nch = ept2 // SB

    @functools.partial(
        pl.kernel,
        out_type=jax.ShapeDtypeStruct((NCORE, NTP2), jnp.float32),
        mesh=_get_mesh(),
        compiler_params=pltpu.CompilerParams(needs_layout_passes=False),
        scratch_types=[
            pltpu.MemorySpace.VMEM((SB + 16,), jnp.float32),
            pltpu.MemorySpace.VMEM((SB + 16,), jnp.int32),
            pltpu.MemorySpace.VMEM((NTP2 + 16,), jnp.float32),
            pltpu.MemorySpace.VMEM((NSUB, CPT), jnp.float32),
            pltpu.MemorySpace.VMEM((CPT,), jnp.float32),
            pltpu.MemorySpace.VMEM_SHARED((NSUB, NTP2), jnp.float32),
        ],
    )
    def k(l_hbm, i_hbm, out_hbm, lbuf, ibuf, m, cbuf, res, slab):
        cid = lax.axis_index("c")
        sid = lax.axis_index("s")
        lane0 = lax.iota(jnp.int32, 16) == 0

        def initb(g, _):
            m[pl.ds(16 * g, 16)] = jnp.full((16,), NEG, jnp.float32)
            return 0

        lax.fori_loop(0, (NTP2 + 16) // 16, initb, 0)

        def body(ci, _):
            base = _wid(cid, sid) * ept2 + ci * SB
            pltpu.sync_copy(l_hbm.at[pl.ds(base, SB)], lbuf.at[pl.ds(0, SB)])
            pltpu.sync_copy(i_hbm.at[pl.ds(base, SB)], ibuf.at[pl.ds(0, SB)])

            def sbody(i, _):
                d = ibuf[pl.ds(i, 16)][0]
                l = lbuf[pl.ds(i, 16)][0]
                vm = m[pl.ds(d, 16)]
                m[pl.ds(d, 16)] = jnp.where(
                    lane0, jnp.maximum(vm, l), vm)
                return 0

            lax.fori_loop(0, SB, sbody, 0)
            return 0

        lax.fori_loop(0, nch, body, 0)
        pltpu.sync_copy(m.at[pl.ds(0, NTP2)], slab.at[sid])
        plsc.subcore_barrier()
        c0 = sid * CPT
        for t in range(NSUB):
            pltpu.sync_copy(slab.at[t, pl.ds(c0, CPT)], cbuf.at[t])

        def rbody(g, _):
            s = pl.ds(16 * g, 16)
            r = cbuf[0, s]
            for t in range(1, NSUB):
                r = jnp.maximum(r, cbuf[t, s])
            res[s] = r
            return 0

        lax.fori_loop(0, CPT // 16, rbody, 0)
        pltpu.sync_copy(res, out_hbm.at[cid, pl.ds(c0, CPT)])

    return k(logits, dsth)


@functools.partial(jax.jit, static_argnames=("EP2",))
def _sc_den(logits, dsth, lmax, *, EP2):
    ept2 = EP2 // NW
    nch = ept2 // SB

    @functools.partial(
        pl.kernel,
        out_type=(jax.ShapeDtypeStruct((EP2,), jnp.float32),
                  jax.ShapeDtypeStruct((NCORE, NTP2), jnp.float32)),
        mesh=_get_mesh(),
        compiler_params=pltpu.CompilerParams(needs_layout_passes=False),
        scratch_types=[
            pltpu.MemorySpace.VMEM((SB + 16,), jnp.float32),
            pltpu.MemorySpace.VMEM((SB + 16,), jnp.int32),
            pltpu.MemorySpace.VMEM((SB + 16,), jnp.float32),
            pltpu.MemorySpace.VMEM((NTP2,), jnp.float32),
            pltpu.MemorySpace.VMEM((NTP2 + 16,), jnp.float32),
            pltpu.MemorySpace.VMEM((NSUB, CPT), jnp.float32),
            pltpu.MemorySpace.VMEM((CPT,), jnp.float32),
            pltpu.MemorySpace.VMEM_SHARED((NSUB, NTP2), jnp.float32),
        ],
    )
    def k(l_hbm, i_hbm, mx_hbm, ex_hbm, den_hbm,
          lbuf, ibuf, exbuf, mloc, dacc, cbuf, res, slab):
        cid = lax.axis_index("c")
        sid = lax.axis_index("s")
        lane0 = lax.iota(jnp.int32, 16) == 0
        pltpu.sync_copy(mx_hbm, mloc)

        def initb(g, _):
            dacc[pl.ds(16 * g, 16)] = jnp.zeros((16,), jnp.float32)
            return 0

        lax.fori_loop(0, (NTP2 + 16) // 16, initb, 0)

        def body(ci, _):
            base = _wid(cid, sid) * ept2 + ci * SB
            pltpu.sync_copy(l_hbm.at[pl.ds(base, SB)], lbuf.at[pl.ds(0, SB)])
            pltpu.sync_copy(i_hbm.at[pl.ds(base, SB)], ibuf.at[pl.ds(0, SB)])

            def vbody(g, _):
                s = pl.ds(16 * g, 16)
                iv = ibuf[s]
                mx = plsc.load_gather(mloc, [iv])
                exbuf[s] = jnp.exp(lbuf[s] - mx)
                return 0

            lax.fori_loop(0, SB // 16, vbody, 0)

            def sbody(i, _):
                d = ibuf[pl.ds(i, 16)][0]
                ev = exbuf[pl.ds(i, 16)][0]
                vd = dacc[pl.ds(d, 16)]
                dacc[pl.ds(d, 16)] = jnp.where(lane0, vd + ev, vd)
                return 0

            lax.fori_loop(0, SB, sbody, 0)
            pltpu.sync_copy(exbuf.at[pl.ds(0, SB)], ex_hbm.at[pl.ds(base, SB)])
            return 0

        lax.fori_loop(0, nch, body, 0)
        pltpu.sync_copy(dacc.at[pl.ds(0, NTP2)], slab.at[sid])
        plsc.subcore_barrier()
        c0 = sid * CPT
        for t in range(NSUB):
            pltpu.sync_copy(slab.at[t, pl.ds(c0, CPT)], cbuf.at[t])

        def rbody(g, _):
            s = pl.ds(16 * g, 16)
            r = cbuf[0, s]
            for t in range(1, NSUB):
                r = r + cbuf[t, s]
            res[s] = r
            return 0

        lax.fori_loop(0, CPT // 16, rbody, 0)
        pltpu.sync_copy(res, den_hbm.at[cid, pl.ds(c0, CPT)])

    return k(logits, dsth, lmax)


@functools.partial(jax.jit, static_argnames=("EP",))
def _sc_attout(vpe, ex, den, dst, dsth, zeros, *, EP):
    D = HEADS * EMB
    BA = 64
    ept = EP // NW
    nch = ept // BA

    @functools.partial(
        pl.kernel,
        out_type=jax.ShapeDtypeStruct((NCORE, NTP, D), jnp.float32),
        mesh=_get_mesh(),
        compiler_params=pltpu.CompilerParams(needs_layout_passes=False),
        scratch_types=[
            pltpu.MemorySpace.VMEM((BA,), jnp.int32),
            pltpu.MemorySpace.VMEM((2 * BA,), jnp.int32),
            pltpu.MemorySpace.VMEM((BA, D), jnp.float32),
            pltpu.MemorySpace.VMEM((2 * BA,), jnp.float32),
            pltpu.MemorySpace.VMEM((2 * BA + 16,), jnp.float32),
            pltpu.MemorySpace.VMEM((NTP2,), jnp.float32),
            pltpu.MemorySpace.VMEM_SHARED((NTP, D), jnp.float32),
            pltpu.SemaphoreType.DMA,
        ],
    )
    def k(vpe_hbm, ex_hbm, den_hbm, dst_hbm, dsth_hbm, z_hbm, out_hbm,
          dv, iv2, vbuf, exb, ab, dloc, acc, sem):
        cid = lax.axis_index("c")
        sid = lax.axis_index("s")
        r0 = sid * RPT
        pltpu.sync_copy(den_hbm, dloc)
        pltpu.sync_copy(z_hbm.at[pl.ds(r0, RPT)], acc.at[pl.ds(r0, RPT)])
        plsc.subcore_barrier()

        def body(ci, _):
            base = _wid(cid, sid) * ept + ci * BA
            c1 = pltpu.async_copy(dst_hbm.at[pl.ds(base, BA)], dv, sem)
            c2 = pltpu.async_copy(
                dsth_hbm.at[pl.ds(2 * base, 2 * BA)], iv2, sem)
            c3 = pltpu.async_copy(
                ex_hbm.at[pl.ds(2 * base, 2 * BA)], exb, sem)
            c4 = pltpu.async_copy(vpe_hbm.at[pl.ds(base, BA)], vbuf, sem)
            c1.wait()
            c2.wait()
            c3.wait()
            c4.wait()

            def abody(g, _):
                s = pl.ds(16 * g, 16)
                iv = iv2[s]
                dn = plsc.load_gather(dloc, [iv])
                ab[s] = exb[s] / (dn + 1e-16)
                return 0

            lax.fori_loop(0, 2 * BA // 16, abody, 0)

            def ebody(i, _):
                av = ab[pl.ds(2 * i, 16)]
                a0 = av[0]
                a1 = av[1]
                for j in range(D // 16):
                    s = pl.ds(16 * j, 16)
                    a = a0 if j < (D // 32) else a1
                    vbuf[i, s] = vbuf[i, s] * a
                return 0

            lax.fori_loop(0, BA, ebody, 0)
            pltpu.sync_copy(vbuf, acc.at[dv], add=True)
            return 0

        lax.fori_loop(0, nch, body, 0)
        plsc.subcore_barrier()
        pltpu.sync_copy(acc.at[pl.ds(r0, RPT)], out_hbm.at[cid, pl.ds(r0, RPT)])

    return k(vpe, ex, den, dst, dsth, zeros)


def _leaky(x):
    return jnp.where(x >= 0, x, 0.01 * x)


def _lin(x, W, b):
    return x @ W + b


def _mlp3(x, p, pre):
    h = _leaky(_lin(x, p[pre + '_W0'], p[pre + '_b0']))
    h = _leaky(_lin(h, p[pre + '_W1'], p[pre + '_b1']))
    return _lin(h, p[pre + '_W2'], p[pre + '_b2'])


def _hmm(a, b):
    return jnp.matmul(a, b, precision=lax.Precision.HIGHEST)


def _graph_norm(x, onehot, invn):
    mean = _hmm(onehot.T, x).sum(-1) * invn
    xc = x - _hmm(onehot, mean[:, None])
    var = _hmm(onehot.T, xc * xc).sum(-1) * invn
    return xc * _hmm(onehot, lax.rsqrt(var + EPS_LN)[:, None])


def _pad_rows(x, rows):
    return jnp.pad(x, ((0, rows - x.shape[0]), (0, 0)))


def kernel(x, edge_attr, cond, params, edge_index, batch):
    p = params
    o = _mlp3(x, p, 'x2h')
    e = _mlp3(edge_attr, p, 'e2h')
    c = _mlp3(cond, p, 'c2h')
    N = x.shape[0]
    G = cond.shape[0]
    E_real = edge_index.shape[1]
    E0 = E_real + 2 * N
    E_aug = E0 + NTOT
    EPAD = ((E_aug + NW * SB // 2 - 1) // (NW * SB // 2)) * (NW * SB // 2)
    E0PAD = ((E0 + NW * B - 1) // (NW * B)) * (NW * B)
    EP2 = 2 * EPAD

    u = jnp.arange(N, dtype=batch.dtype)
    v = batch + N
    src0 = jnp.concatenate([edge_index[0], u, v])
    dst0 = jnp.concatenate([edge_index[1], v, u])
    e_p = jnp.zeros((2 * N, EMB), o.dtype).at[:, 0].set(1.0)
    aug_e0 = jnp.concatenate([e, e_p], 0)

    zeros80 = jnp.zeros((NTP, 80), jnp.float32)
    zeros64 = jnp.zeros((NTP, EMB), jnp.float32)
    zeros128 = jnp.zeros((NTP, HEADS * EMB), jnp.float32)

    pad0 = E0PAD - E0
    rows80 = jnp.concatenate(
        [aug_e0, jnp.ones((E0, 1), jnp.float32),
         jnp.zeros((E0, 15), jnp.float32)], 1)
    rows80 = jnp.pad(rows80, ((0, pad0), (0, 0)))
    dst0p = jnp.concatenate(
        [dst0.astype(jnp.int32), jnp.full((pad0,), NTOT, jnp.int32)])
    sums = _sc_scatter_add(rows80, dst0p, zeros80, D=80, EP=E0PAD)
    sums = (sums[0] + sums[1])[:NTOT]
    cnt = sums[:, EMB]
    loop_attr = sums[:, :EMB] / jnp.clip(cnt, 1.0)[:, None]

    loops = jnp.arange(NTOT, dtype=src0.dtype)
    src = jnp.concatenate([src0, loops])
    dst = jnp.concatenate([dst0, loops])
    aug_e = jnp.concatenate([aug_e0, loop_attr], 0)
    pad = EPAD - E_aug
    srcp = jnp.concatenate(
        [src.astype(jnp.int32), jnp.full((pad,), NTOT, jnp.int32)])
    dstp = jnp.concatenate(
        [dst.astype(jnp.int32), jnp.full((pad,), NTOT, jnp.int32)])
    aug_ep = jnp.pad(aug_e, ((0, pad), (0, 0)))
    dsth = (2 * dstp[:, None] + jnp.arange(2, dtype=jnp.int32)).reshape(-1)

    aug_batch = jnp.concatenate(
        [batch, jnp.arange(G, dtype=batch.dtype)])
    onehot = jax.nn.one_hot(aug_batch, G, dtype=jnp.float32)
    cnt_g = onehot.sum(0)
    inv_norm = 1.0 / (jnp.clip(cnt_g, 1.0) * EMB)
    o = jnp.concatenate([o, c], 0)

    for i in range(LAYERS):
        pre = 'l%d' % i
        cs = _lin(c, p[pre + '_cs_W'], p[pre + '_cs_b'])[aug_batch]
        on = _graph_norm(o, onehot, inv_norm)
        onp = _pad_rows(on, NTP)

        agg = _sc_gen(onp, aug_ep, srcp, dstp, zeros64, EP=EPAD)
        agg = (agg[0] + agg[1])[:NTOT]
        agg = _lin(agg + on, p[pre + '_gen_W'], p[pre + '_gen_b'])

        xin = jnp.concatenate([on, agg], 1)
        q = (_lin(xin, p[pre + '_Wq'], p[pre + '_bq'])
             / jnp.sqrt(float(EMB)))
        kk = _lin(xin, p[pre + '_Wk'], p[pre + '_bk'])
        vv = _lin(xin, p[pre + '_Wv'], p[pre + '_bv'])
        ee = aug_ep @ p[pre + '_We']
        kvt = jnp.concatenate(
            [_pad_rows(kk, NTP), _pad_rows(vv, NTP)], 1)
        qd, ksvs = _sc_gather_qkv(
            _pad_rows(q, NTP), kvt, srcp, dstp, EP=EPAD)
        D2 = HEADS * EMB
        logits = (qd * (ksvs[:, :D2] + ee)).reshape(
            EPAD, HEADS, EMB).sum(-1)
        logits = logits.reshape(EP2)
        vpe = ksvs[:, D2:] + ee
        lmax = _sc_seg_max(logits, dsth, EP2=EP2)
        lmax = jnp.maximum(lmax[0], lmax[1])
        ex, den = _sc_den(logits, dsth, lmax, EP2=EP2)
        den = den[0] + den[1]
        out = _sc_attout(vpe, ex, den, dstp, dsth, zeros128, EP=EPAD)
        out = (out[0] + out[1])[:NTOT]
        h = out + _lin(xin, p[pre + '_Wskip'], p[pre + '_bskip'])

        l_h = _lin(h, p[pre + '_lin_W'], p[pre + '_lin_b'])
        o = o + l_h * cs[:, :EMB] + cs[:, EMB:]
        on2 = _graph_norm(o, onehot, inv_norm)
        ff = _lin(_leaky(_lin(on2, p[pre + '_ff_W0'], p[pre + '_ff_b0'])),
                  p[pre + '_ff_W1'], p[pre + '_ff_b1'])
        o = o + ff

    oh_n = onehot[:N]
    cnt_n = oh_n.sum(0)
    pooled = _hmm(oh_n.T, o[:N]) / jnp.clip(cnt_n, 1.0)[:, None]
    glob = jnp.concatenate([pooled, o[N:]], 1)
    return o[:N], glob

# --- scband reference (transcript-rebuilt; emitter-appended) ---
"""Pipeline reference for scband-graph-transformer-50714973831897 (READ-ONLY COPY).

The authoritative reference and input builder live on the scoring server;
editing this copy changes nothing except your own understanding.
"""

import jax, jax.numpy as jnp
import numpy as np

N_NODES = 10000
N_EDGES = 160000
N_GRAPHS = 128
X_DIM = 128
E_DIM = 16
G_DIM = 32
EMB = 64
HEADS = 2
LAYERS = 3
EPS_GEN = 1e-7
EPS_LN = 1e-5

def _leaky(x):
    return jnp.where(x >= 0, x, 0.01 * x)

def _lin(x, W, b):
    return x @ W + b

def _mlp3(x, p, pre):
    h = _leaky(_lin(x, p[pre + '_W0'], p[pre + '_b0']))
    h = _leaky(_lin(h, p[pre + '_W1'], p[pre + '_b1']))
    return _lin(h, p[pre + '_W2'], p[pre + '_b2'])

def _graph_norm(x, batch, num_graphs):
    F = x.shape[-1]
    cnt = jax.ops.segment_sum(jnp.ones((x.shape[0],), x.dtype), batch, num_segments=num_graphs)
    norm = jnp.clip(cnt, 1.0) * F
    mean = jax.ops.segment_sum(x.sum(-1), batch, num_segments=num_graphs) / norm
    xc = x - mean[batch][:, None]
    var = jax.ops.segment_sum((xc * xc).sum(-1), batch, num_segments=num_graphs) / norm
    return xc * jax.lax.rsqrt(var + EPS_LN)[batch][:, None]

def _gen_conv(x, src, dst, e, W, b, n):
    msg = jax.nn.relu(x[src] + e) + EPS_GEN
    agg = jax.ops.segment_sum(msg, dst, num_segments=n)
    return _lin(agg + x, W, b)

def _trans_conv(x, src, dst, e, p, pre, n):
    H, C = HEADS, EMB
    q = _lin(x, p[pre + '_Wq'], p[pre + '_bq']).reshape(-1, H, C)
    k = _lin(x, p[pre + '_Wk'], p[pre + '_bk']).reshape(-1, H, C)
    v = _lin(x, p[pre + '_Wv'], p[pre + '_bv']).reshape(-1, H, C)
    ee = (e @ p[pre + '_We']).reshape(-1, H, C)
    kj = k[src] + ee
    logits = (q[dst] * kj).sum(-1) / jnp.sqrt(float(C))
    lmax = jax.ops.segment_max(logits, dst, num_segments=n)
    lmax = jnp.where(jnp.isneginf(lmax), 0.0, lmax)
    ex = jnp.exp(logits - lmax[dst])
    den = jax.ops.segment_sum(ex, dst, num_segments=n)
    alpha = ex / (den[dst] + 1e-16)
    out = jax.ops.segment_sum((v[src] + ee) * alpha[..., None], dst, num_segments=n)
    return out.reshape(n, H * C) + _lin(x, p[pre + '_Wskip'], p[pre + '_bskip'])

def _forward(params, x, edge_attr, cond, edge_index, batch):
    o = _mlp3(x, params, 'x2h')
    e = _mlp3(edge_attr, params, 'e2h')
    c = _mlp3(cond, params, 'c2h')
    N = x.shape[0]
    G = cond.shape[0]
    Ntot = N + G
    u = jnp.arange(N, dtype=batch.dtype)
    v = batch + N
    src = jnp.concatenate([edge_index[0], u, v])
    dst = jnp.concatenate([edge_index[1], v, u])
    e_p = jnp.zeros((2 * N, EMB), o.dtype).at[:, 0].set(1.0)
    aug_e = jnp.concatenate([e, e_p], 0)
    cnt = jax.ops.segment_sum(jnp.ones((dst.shape[0],), o.dtype), dst, num_segments=Ntot)
    loop_attr = jax.ops.segment_sum(aug_e, dst, num_segments=Ntot) / jnp.clip(cnt, 1.0)[:, None]
    loops = jnp.arange(Ntot, dtype=src.dtype)
    src = jnp.concatenate([src, loops])
    dst = jnp.concatenate([dst, loops])
    aug_e = jnp.concatenate([aug_e, loop_attr], 0)
    aug_batch = jnp.concatenate([batch, jnp.arange(G, dtype=batch.dtype)])
    o = jnp.concatenate([o, c], 0)
    for i in range(LAYERS):
        pre = 'l%d' % i
        cs = _lin(c, params[pre + '_cs_W'], params[pre + '_cs_b'])[aug_batch]
        o_norm = _graph_norm(o, aug_batch, G)
        agg = _gen_conv(o_norm, src, dst, aug_e, params[pre + '_gen_W'], params[pre + '_gen_b'], Ntot)
        h = _trans_conv(jnp.concatenate([o_norm, agg], 1), src, dst, aug_e, params, pre, Ntot)
        l_h = _lin(h, params[pre + '_lin_W'], params[pre + '_lin_b'])
        scale = cs[:, :EMB]
        shift = cs[:, EMB:]
        o = o + l_h * scale + shift
        on2 = _graph_norm(o, aug_batch, G)
        ff = _lin(_leaky(_lin(on2, params[pre + '_ff_W0'], params[pre + '_ff_b0'])), params[pre + '_ff_W1'], params[pre + '_ff_b1'])
        o = o + ff
    cnt_n = jax.ops.segment_sum(jnp.ones((N,), o.dtype), batch, num_segments=G)
    pooled = jax.ops.segment_sum(o[:N], batch, num_segments=G) / jnp.clip(cnt_n, 1.0)[:, None]
    glob = jnp.concatenate([pooled, o[N:]], 1)
    return o[:N], glob

def _lin_init(key, n_in, n_out, bias=True):
    k1, k2 = jax.random.split(key)
    s = 1.0 / np.sqrt(n_in)
    W = jax.random.uniform(k1, (n_in, n_out), jnp.float32, -s, s)
    if not bias:
        return W
    b = jax.random.uniform(k2, (n_out,), jnp.float32, -s, s)
    return W, b

def _make_params(key):
    p = {}
    idx = [0]
    def nk():
        idx[0] += 1
        return jax.random.fold_in(key, idx[0])
    for pre, din in (('x2h', X_DIM), ('e2h', E_DIM), ('c2h', G_DIM)):
        dims = [(din, EMB), (EMB, EMB), (EMB, EMB)]
        for j, (a, b) in enumerate(dims):
            W, bb = _lin_init(nk(), a, b)
            p[pre + '_W%d' % j] = W
            p[pre + '_b%d' % j] = bb
    for i in range(LAYERS):
        pre = 'l%d' % i
        p[pre + '_gen_W'], p[pre + '_gen_b'] = _lin_init(nk(), EMB, EMB)
        for nm in ('Wq', 'Wk', 'Wv'):
            W, b = _lin_init(nk(), 2 * EMB, HEADS * EMB)
            p[pre + '_' + nm] = W
            p[pre + '_b' + nm[1]] = b
        p[pre + '_We'] = _lin_init(nk(), EMB, HEADS * EMB, bias=False)
        p[pre + '_Wskip'], p[pre + '_bskip'] = _lin_init(nk(), 2 * EMB, HEADS * EMB)
        p[pre + '_lin_W'], p[pre + '_lin_b'] = _lin_init(nk(), HEADS * EMB, EMB)
        p[pre + '_ff_W0'], p[pre + '_ff_b0'] = _lin_init(nk(), EMB, 4 * EMB)
        p[pre + '_ff_W1'], p[pre + '_ff_b1'] = _lin_init(nk(), 4 * EMB, EMB)
        p[pre + '_cs_W'], p[pre + '_cs_b'] = _lin_init(nk(), EMB, 2 * EMB)
    return p

def setup_inputs(seed: int = 0):
    key = jax.random.key(seed)
    x = jax.random.normal(jax.random.fold_in(key, 1), (N_NODES, X_DIM), jnp.float32)
    edge_index = jax.random.randint(jax.random.fold_in(key, 2), (2, N_EDGES), 0, N_NODES)
    edge_attr = jax.random.normal(jax.random.fold_in(key, 3), (N_EDGES, E_DIM), jnp.float32)
    batch = jnp.sort(jax.random.randint(jax.random.fold_in(key, 4), (N_NODES,), 0, N_GRAPHS))
    cond = jax.random.normal(jax.random.fold_in(key, 5), (N_GRAPHS, G_DIM), jnp.float32)
    params = _make_params(jax.random.fold_in(key, 6))
    return {'x': x, 'edge_attr': edge_attr, 'cond': cond, 'params': params, 'edge_index': edge_index, 'batch': batch}

def reference(x, edge_attr, cond, params, edge_index, batch):
    return _forward(params, x, edge_attr, cond, edge_index, batch)

if __name__ == "__main__":
    import jax
    _d = setup_inputs()
    print(jax.jit(kernel)(*tuple(_d.values())))

</pallas_src>

<mosaic_0001>
#map = affine_map<(d0, d1) -> (0, 0)>
#map1 = affine_map<(d0, d1) -> (0)>
#map2 = affine_map<(d0, d1) -> (0, 0, 0)>
module attributes {stable_mosaic.version = 14 : i64} {
  func.func @k(%arg0: i32, %arg1: i32, %arg2: memref<180224x80xf32, #tpu.memory_space<hbm>>, %arg3: memref<180224xi32, #tpu.memory_space<hbm>>, %arg4: memref<10240x80xf32, #tpu.memory_space<hbm>>, %arg5: memref<2x10240x80xf32, #tpu.memory_space<hbm>>, %arg6: memref<128xi32, #tpu.memory_space<vmem>>, %arg7: memref<128x80xf32, #tpu.memory_space<vmem>>, %arg8: memref<10240x80xf32, #tpu.memory_space<vmem_shared>>) attributes {dimension_semantics = [#tpu.dimension_semantics<core_parallel>, #tpu.dimension_semantics<subcore_parallel>], iteration_bounds = array<i64: 2, 16>, scalar_prefetch = 0 : i64, scratch_operands = 3 : i64, tpu.core_type = #tpu.core_type<sc_vector_subcore>, window_params = [{transform_indices = #map}, {transform_indices = #map1}, {transform_indices = #map}, {transform_indices = #map2}]} {
    %mul3A = arith.constant 640 : i32
    %mul3A_0 = arith.muli %arg1, %mul3A : i32
    "tpu.region"() ({
      %run_scoped3A = tpu.sem_alloc : memref<!tpu.dma_semaphore, #tpu.memory_space<semaphore_mem>>
      %dma_start3A = arith.constant 0 : i32
      %dma_start3A_8 = tpu.memref_slice %arg8[%mul3A_0, %dma_start3A] : memref<10240x80xf32, #tpu.memory_space<vmem_shared>> -> memref<640x80xf32, #tpu.memory_space<vmem_shared>>
      %dma_start3A_9 = arith.constant 0 : i32
      %dma_start3A_10 = tpu.memref_slice %arg4[%mul3A_0, %dma_start3A_9] : memref<10240x80xf32, #tpu.memory_space<hbm>> -> memref<640x80xf32, #tpu.memory_space<hbm>>
      tpu.enqueue_dma source(%dma_start3A_10 : memref<640x80xf32, #tpu.memory_space<hbm>>) target(%dma_start3A_8 : memref<640x80xf32, #tpu.memory_space<vmem_shared>>) target_semaphore(%run_scoped3A : memref<!tpu.dma_semaphore, #tpu.memory_space<semaphore_mem>>)
      %dma_wait3A = arith.constant 0 : i32
      %dma_wait3A_11 = tpu.memref_slice %arg8[%mul3A_0, %dma_wait3A] : memref<10240x80xf32, #tpu.memory_space<vmem_shared>> -> memref<640x80xf32, #tpu.memory_space<vmem_shared>>
      %dma_wait3A_12 = arith.constant 0 : i32
      %dma_wait3A_13 = tpu.memref_slice %arg4[%mul3A_0, %dma_wait3A_12] : memref<10240x80xf32, #tpu.memory_space<hbm>> -> memref<640x80xf32, #tpu.memory_space<hbm>>
      tpu.wait_dma2 semaphore(%run_scoped3A : memref<!tpu.dma_semaphore, #tpu.memory_space<semaphore_mem>>) src(%dma_wait3A_13 : memref<640x80xf32, #tpu.memory_space<hbm>>) dst(%dma_wait3A_11 : memref<640x80xf32, #tpu.memory_space<vmem_shared>>)
      tpu.yield
    }) : () -> ()
    %barrier3A = arith.constant 0 : index
    tpu.barrier barrier_id(%barrier3A)
    %scan3A = arith.constant 0 : i32
    %scan3A_1 = arith.constant 0 : i32
    %scan3A_2 = arith.constant 44 : i32
    %scan3A_3 = arith.addi %scan3A_1, %scan3A_2 : i32
    %scan3A_4 = arith.constant 1 : i32
    %scan3A_5 = scf.for %scan3A_8 = %scan3A_1 to %scan3A_3 step %scan3A_4 iter_args(%scan3A_9 = %scan3A) -> (i32)  : i32 {
      %mul3A_10 = arith.constant 16 : i32
      %mul3A_11 = arith.muli %arg0, %mul3A_10 : i32
      %add3A = arith.addi %mul3A_11, %arg1 : i32
      %mul3A_12 = arith.constant 5632 : i32
      %mul3A_13 = arith.muli %add3A, %mul3A_12 : i32
      %mul3A_14 = arith.constant 128 : i32
      %mul3A_15 = arith.muli %scan3A_8, %mul3A_14 : i32
      %add3A_16 = arith.addi %mul3A_13, %mul3A_15 : i32
      "tpu.region"() ({
        %run_scoped3A = tpu.sem_alloc : memref<!tpu.dma_semaphore, #tpu.memory_space<semaphore_mem>>
        %dma_start3A = tpu.memref_slice %arg3[%add3A_16] : memref<180224xi32, #tpu.memory_space<hbm>> -> memref<128xi32, #tpu.memory_space<hbm>>
        %dma_start3A_18 = tpu.memref_slice %arg3[%add3A_16] : memref<180224xi32, #tpu.memory_space<hbm>> -> memref<128xi32, #tpu.memory_space<hbm>>
        tpu.enqueue_dma source(%dma_start3A_18 : memref<128xi32, #tpu.memory_space<hbm>>) target(%arg6 : memref<128xi32, #tpu.memory_space<vmem>>) target_semaphore(%run_scoped3A : memref<!tpu.dma_semaphore, #tpu.memory_space<semaphore_mem>>)
        %dma_wait3A = tpu.memref_slice %arg3[%add3A_16] : memref<180224xi32, #tpu.memory_space<hbm>> -> memref<128xi32, #tpu.memory_space<hbm>>
        %dma_wait3A_19 = tpu.memref_slice %arg3[%add3A_16] : memref<180224xi32, #tpu.memory_space<hbm>> -> memref<128xi32, #tpu.memory_space<hbm>>
        tpu.wait_dma2 semaphore(%run_scoped3A : memref<!tpu.dma_semaphore, #tpu.memory_space<semaphore_mem>>) src(%dma_wait3A_19 : memref<128xi32, #tpu.memory_space<hbm>>) dst(%arg6 : memref<128xi32, #tpu.memory_space<vmem>>)
        tpu.yield
      }) : () -> ()
      "tpu.region"() ({
        %run_scoped3A = tpu.sem_alloc : memref<!tpu.dma_semaphore, #tpu.memory_space<semaphore_mem>>
        %dma_start3A = arith.constant 0 : i32
        %dma_start3A_18 = tpu.memref_slice %arg2[%add3A_16, %dma_start3A] : memref<180224x80xf32, #tpu.memory_space<hbm>> -> memref<128x80xf32, #tpu.memory_space<hbm>>
        %dma_start3A_19 = arith.constant 0 : i32
        %dma_start3A_20 = tpu.memref_slice %arg2[%add3A_16, %dma_start3A_19] : memref<180224x80xf32, #tpu.memory_space<hbm>> -> memref<128x80xf32, #tpu.memory_space<hbm>>
        tpu.enqueue_dma source(%dma_start3A_20 : memref<128x80xf32, #tpu.memory_space<hbm>>) target(%arg7 : memref<128x80xf32, #tpu.memory_space<vmem>>) target_semaphore(%run_scoped3A : memref<!tpu.dma_semaphore, #tpu.memory_space<semaphore_mem>>)
        %dma_wait3A = arith.constant 0 : i32
        %dma_wait3A_21 = tpu.memref_slice %arg2[%add3A_16, %dma_wait3A] : memref<180224x80xf32, #tpu.memory_space<hbm>> -> memref<128x80xf32, #tpu.memory_space<hbm>>
        %dma_wait3A_22 = arith.constant 0 : i32
        %dma_wait3A_23 = tpu.memref_slice %arg2[%add3A_16, %dma_wait3A_22] : memref<180224x80xf32, #tpu.memory_space<hbm>> -> memref<128x80xf32, #tpu.memory_space<hbm>>
        tpu.wait_dma2 semaphore(%run_scoped3A : memref<!tpu.dma_semaphore, #tpu.memory_space<semaphore_mem>>) src(%dma_wait3A_23 : memref<128x80xf32, #tpu.memory_space<hbm>>) dst(%arg7 : memref<128x80xf32, #tpu.memory_space<vmem>>)
        tpu.yield
      }) : () -> ()
      "tpu.region"() ({
        %run_scoped3A = tpu.sem_alloc : memref<!tpu.dma_semaphore, #tpu.memory_space<semaphore_mem>>
        %dma_start3A = arith.constant 0 : i32
        %dma_start3A_18 = arith.constant 0 : i32
        %dma_start3A_19 = tpu.memref_slice %arg8[%dma_start3A, %dma_start3A_18] : memref<10240x80xf32, #tpu.memory_space<vmem_shared>> -> memref<10240x80xf32, #tpu.memory_space<vmem_shared>>
        tpu.enqueue_indirect_dma source(%arg7 : memref<128x80xf32, #tpu.memory_space<vmem>>) target(%dma_start3A_19 : memref<10240x80xf32, #tpu.memory_space<vmem_shared>>) offsets(%arg6 : memref<128xi32, #tpu.memory_space<vmem>>) semaphore(%run_scoped3A : memref<!tpu.dma_semaphore, #tpu.memory_space<semaphore_mem>>) {add = true}
        %dma_wait3A = arith.constant 0 : i32
        %dma_wait3A_20 = arith.constant 0 : i32
        %dma_wait3A_21 = tpu.memref_slice %arg8[%dma_wait3A, %dma_wait3A_20] : memref<10240x80xf32, #tpu.memory_space<vmem_shared>> -> memref<10240x80xf32, #tpu.memory_space<vmem_shared>>
        tpu.wait_indirect_dma semaphore(%run_scoped3A : memref<!tpu.dma_semaphore, #tpu.memory_space<semaphore_mem>>) src(%arg7 : memref<128x80xf32, #tpu.memory_space<vmem>>) dst(%dma_wait3A_21 : memref<10240x80xf32, #tpu.memory_space<vmem_shared>>)
        tpu.yield
      }) : () -> ()
      %scan3A_17 = arith.constant 0 : i32
      scf.yield %scan3A_17 : i32
    }
    %scan3A_6 = arith.constant 44 : i32
    %barrier3A_7 = arith.constant 0 : index
    tpu.barrier barrier_id(%barrier3A_7)
    "tpu.region"() ({
      %run_scoped3A = tpu.sem_alloc : memref<!tpu.dma_semaphore, #tpu.memory_space<semaphore_mem>>
      %dma_start3A = arith.constant 0 : i32
      %dma_start3A_8 = tpu.memref_slice %arg5[%arg0, %mul3A_0, %dma_start3A] : memref<2x10240x80xf32, #tpu.memory_space<hbm>> -> memref<1x640x80xf32, #tpu.memory_space<hbm>>
      %dma_start3A_9 = tpu.memref_squeeze %dma_start3A_8 : memref<1x640x80xf32, #tpu.memory_space<hbm>> -> memref<640x80xf32, #tpu.memory_space<hbm>>
      %dma_start3A_10 = arith.constant 0 : i32
      %dma_start3A_11 = tpu.memref_slice %arg8[%mul3A_0, %dma_start3A_10] : memref<10240x80xf32, #tpu.memory_space<vmem_shared>> -> memref<640x80xf32, #tpu.memory_space<vmem_shared>>
      tpu.enqueue_dma source(%dma_start3A_11 : memref<640x80xf32, #tpu.memory_space<vmem_shared>>) target(%dma_start3A_9 : memref<640x80xf32, #tpu.memory_space<hbm>>) target_semaphore(%run_scoped3A : memref<!tpu.dma_semaphore, #tpu.memory_space<semaphore_mem>>)
      %dma_wait3A = arith.constant 0 : i32
      %dma_wait3A_12 = tpu.memref_slice %arg5[%arg0, %mul3A_0, %dma_wait3A] : memref<2x10240x80xf32, #tpu.memory_space<hbm>> -> memref<1x640x80xf32, #tpu.memory_space<hbm>>
      %dma_wait3A_13 = tpu.memref_squeeze %dma_wait3A_12 : memref<1x640x80xf32, #tpu.memory_space<hbm>> -> memref<640x80xf32, #tpu.memory_space<hbm>>
      %dma_wait3A_14 = arith.constant 0 : i32
      %dma_wait3A_15 = tpu.memref_slice %arg8[%mul3A_0, %dma_wait3A_14] : memref<10240x80xf32, #tpu.memory_space<vmem_shared>> -> memref<640x80xf32, #tpu.memory_space<vmem_shared>>
      tpu.wait_dma2 semaphore(%run_scoped3A : memref<!tpu.dma_semaphore, #tpu.memory_space<semaphore_mem>>) src(%dma_wait3A_15 : memref<640x80xf32, #tpu.memory_space<vmem_shared>>) dst(%dma_wait3A_13 : memref<640x80xf32, #tpu.memory_space<hbm>>)
      tpu.yield
    }) : () -> ()
    return
  }
}

</mosaic_0001>

<sc_bundles>
// kernel: _sc_scatter_add.3.cloned.1.call-start
scs
__scs_entry_jumppad:
0x0: {  	(pc) =	sbr.rel $0x88, $3  }
0x1: {  	(tag) =	ssettag $0x0;
	lr =	simm.s32 $0x1  }
0x2: {  	[smem:$0x3F9E] =	sst lr;
	_ =	strace $0xD0000000  }
0x3: {  	_ = 	snop  }
0x4: {  	_ = 	snop  }
0x5: {  	_ = 	snop  }
0x6: {  	_ = 	snop  }
0x7: {  	_ = 	snop  }
__scs_overlays_trampoline_lowered:
0x8: {  	[smem:$0x3FAD] =	sst s0  }
0x9: {  	[smem:$0x3FAE] =	sst s1  }
0xa: {  	[smem:$0x3FAF] =	sst s2  }
0xb: {  	[smem:$0x3FB0] =	sst s3  }
0xc: {  	[smem:$0x3FB1] =	sst s4  }
0xd: {  	[smem:$0x3FB2] =	sst s5  }
0xe: {  	[smem:$0x3FB3] =	sst s6  }
0xf: {  	[smem:$0x3FB4] =	sst s7  }
0x10: {  	[smem:$0x3FB5] =	sst s8  }
0x11: {  	[smem:$0x3FB6] =	sst s9;
	s0 =	simm.s32 @!p0 $0x0  }
0x12: {  	s1 =	sld [smem:$0x3F9C];
	s0 =	simm.s32 @p0 $0x1  }
0x13: {  	[smem:$0x3FB7] =	sst s0;
	s0 =	simm.s32 @!p1 $0x0  }
0x14: {  	s2 =	sld [smem:$0x3F9B];
	s0 =	simm.s32 @p1 $0x1  }
0x15: {  	[smem:$0x3FB8] =	sst s0;
	s0 =	simm.s32 @!p2 $0x0  }
0x16: {  	s3 =	sld [smem:$0x3FDB];
	s0 =	simm.s32 @p2 $0x1  }
0x17: {  	s4 =	simm.s32 $0x1BF5;
	[smem:$0x3FBA] =	sst s0  }
0x18: {  	s0 =	sld [smem:$0x3F9D];
	_ =	swait.ge [sflag:s4], $0x0  }
0x19: {  	s7 =	sld [smem:$0x3F9E]  }
0x1a: {  	s8 =	sadd.s32 $0xFFFFE003, lr  }
0x1b: {  	s9 =	sadd.s32 $0xFFFFFEF7, lr;
	s5 =	simm.s32 $0xFFFFFFFF;
	p2 =	slt.u32 s8, $0xFFFFF086  }
0x1c: {  	p1 =	slt.u32 s9, $0xF7A;
	s5 =	simm.s32 @!p2 $0x0  }
0x1d: {  	s5 =	simm.s32 @p1 $0x1;
	p0 =	seq.s32 s7, s2  }
0x1e: {  	s7 =	smul.u32 @!p0 $0xF7A, s2;
	p2 =	seq.s32 @!p0 s5, $0x0  }
0x1f: {  	s9 =	smul.u32 $0xF7A, s1;
	s8 =	simm.s32 @!p0 $0x1BF5;
	p2 =	por !p2, p0  }
0x20: {  	[sflag:s8] =	ssyncset.s32 @!p0 $0xFFFFF086;
	s6 =	sadd.s32 @!p0 s3, s7;
	s7 =	simm.s32 @!p0 $0x108  }
0x21: {  	s3 =	sadd.s32 s3, s9;
	s6 =	sadd.s32 @!p0 $0x88, s6;
	s7 =	simm.s32 @p2 $0x1082  }
0x22: {  	[simem:s7], [sflag:s8] =	dma.local @!p0 [hbm:s6], $0xF7A  }
0x23: {  	s9 =	sor.u32 $0xD0000000, s2;
	s6 =	simm.s32 $0x108;
	_ =	swait.ge @!p0 [sflag:s8], $0x0  }
0x24: {  	s3 =	sadd.s32 $0x88, s3;
	s6 =	simm.s32 @!p1 $0x1082;
	[sflag:s4] =	ssyncset.s32 $0xFFFFF086  }
0x25: {  	[simem:s6], [sflag:s4] =	dma.local [hbm:s3], $0xF7A  }
0x26: {  	[smem:$0x3F9E] =	sst s1;
	(tag) =	ssettag s2;
	_ =	strace s9  }
0x27: {  	s1 =	sld [smem:$0x3FAE]  }
0x28: {  	s2 =	sld [smem:$0x3FAF]  }
0x29: {  	s4 =	sld [smem:$0x3FB1]  }
0x2a: {  	p0 =	seq.s32 s5, $0x0;
	s5 =	sld [smem:$0x3FB2]  }
0x2b: {  	s6 =	sld [smem:$0x3FB3]  }
0x2c: {  	s7 =	sld [smem:$0x3FB4]  }
0x2d: {  	s3 =	simm.s32 $0x108;
	s8 =	sld [smem:$0x3FB5]  }
0x2e: {  	s3 =	simm.s32 @!p0 $0x1082;
	s9 =	sld [smem:$0x3FB6]  }
0x2f: {  	lr =	sadd.s32 s0, s3;
	s0 =	sld [smem:$0x3FAD]  }
0x30: {  	s3 =	sld [smem:$0x3FB0]  }
0x31: {  	[smem:$0x3FB9] =	sst s10  }
0x32: {  	s10 =	sld [smem:$0x3FB7];
	_ =	sdelay $0x3  }
0x33: {  	p0 =	seq.s32 s10, $0x1;
	s10 =	sld [smem:$0x3FB9];
	_ =	sdelay $0x3  }
0x34: {  	[smem:$0x3FB9] =	sst s10  }
0x35: {  	s10 =	sld [smem:$0x3FB8];
	_ =	sdelay $0x3  }
0x36: {  	p1 =	seq.s32 s10, $0x1;
	s10 =	sld [smem:$0x3FB9];
	_ =	sdelay $0x3  }
0x37: {  	[smem:$0x3FB9] =	sst s10  }
0x38: {  	s10 =	sld [smem:$0x3FBA]  }
0x39: {  	_ = 	snop;
	(pc) =	sbr.ind lr, $3  }
0x3a: {  	_ = 	snop  }
0x3b: {  	_ = 	snop  }
0x3c: {  	p2 =	seq.s32 s10, $0x1;
	s10 =	sld [smem:$0x3FB9]  }
0x3d: {  	_ =	shalt  }
0x3e: {  	_ =	shalt  }
0x3f: {  	_ =	shalt  }
0x40: {  	_ =	shalt  }
0x41: {  	_ =	shalt  }
0x42: {  	_ =	shalt  }
0x43: {  	_ =	shalt  }
0x44: {  	_ =	shalt  }
0x45: {  	_ =	shalt  }
0x46: {  	_ =	shalt  }
0x47: {  	_ =	shalt  }
0x48: {  	_ =	shalt  }
0x49: {  	_ =	shalt  }
0x4a: {  	_ =	shalt  }
0x4b: {  	_ =	shalt  }
0x4c: {  	_ =	shalt  }
0x4d: {  	_ =	shalt  }
0x4e: {  	_ =	shalt  }
0x4f: {  	_ =	shalt  }
0x50: {  	_ =	shalt  }
0x51: {  	_ =	shalt  }
0x52: {  	_ =	shalt  }
0x53: {  	_ =	shalt  }
0x54: {  	_ =	shalt  }
0x55: {  	_ =	shalt  }
0x56: {  	_ =	shalt  }
0x57: {  	_ =	shalt  }
0x58: {  	_ =	shalt  }
0x59: {  	_ =	shalt  }
0x5a: {  	_ =	shalt  }
0x5b: {  	_ =	shalt  }
0x5c: {  	_ =	shalt  }
0x5d: {  	_ =	shalt  }
0x5e: {  	_ =	shalt  }
0x5f: {  	_ =	shalt  }
0x60: {  	_ =	shalt  }
0x61: {  	_ =	shalt  }
0x62: {  	_ =	shalt  }
0x63: {  	_ =	shalt  }
0x64: {  	_ =	shalt  }
0x65: {  	_ =	shalt  }
0x66: {  	_ =	shalt  }
0x67: {  	_ =	shalt  }
0x68: {  	_ =	shalt  }
0x69: {  	_ =	shalt  }
0x6a: {  	_ =	shalt  }
0x6b: {  	_ =	shalt  }
0x6c: {  	_ =	shalt  }
0x6d: {  	_ =	shalt  }
0x6e: {  	_ =	shalt  }
0x6f: {  	_ =	shalt  }
0x70: {  	_ =	shalt  }
0x71: {  	_ =	shalt  }
0x72: {  	_ =	shalt  }
0x73: {  	_ =	shalt  }
0x74: {  	_ =	shalt  }
0x75: {  	_ =	shalt  }
0x76: {  	_ =	shalt  }
0x77: {  	_ =	shalt  }
0x78: {  	_ =	shalt  }
0x79: {  	_ =	shalt  }
0x7a: {  	_ =	shalt  }
0x7b: {  	_ =	shalt  }
0x7c: {  	_ =	shalt  }
0x7d: {  	_ =	shalt  }
0x7e: {  	_ =	shalt  }
0x7f: {  	_ =	shalt  }
0x80: {  	_ =	shalt  }
0x81: {  	_ =	shalt  }
0x82: {  	_ =	shalt  }
0x83: {  	_ =	shalt  }
0x84: {  	_ =	shalt  }
0x85: {  	_ =	shalt  }
0x86: {  	_ =	shalt  }
0x87: {  	_ =	shalt  }
.Lfunc_end0:
.L_simem_size_0:
called_computation_lowered:
.L_overlay_start_0:
0x88: {  	s2 =	sld [smem:$0x3FD9]  }
0x89: {  	s3 =	sld [smem:$0x3FFE];
	_ =	sdelay $0x1  }
0x8a: {  	s1 =	srdreg.scid  }
0x8b: {  	s0 =	sand.u32 $0x1, s1  }
0x8c: {  	s17 =	sshll.u32 s0, $0xA;
	s2 =	sadd.s32 s3, s2  }
0x8d: {  	s2 =	sadd.s32 s2, s17  }
0x8e: {  	[smem:$0x3FC5] =	sst s2  }
0x8f: {  	_ = 	snop  }
0x90: {  	s2 =	sld [smem:$0x3FC8]  }
0x91: {  	s18 =	sld [smem:$0x3FD0];
	(tm) =	ssettm $0x1  }
0x92: {  	s4 =	sld [smem:$0x3FFB];
	_ =	sdelay $0x3  }
0x93: {  	_ =	strace s4  }
0x94: {  	s4 =	sld [smem:$0x3FFC];
	_ =	sdelay $0x3  }
0x95: {  	_ =	strace s4  }
0x96: {  	s4 =	sld [smem:$0x3FFD];
	_ =	sdelay $0x3  }
0x97: {  	_ =	strace s4  }
0x98: {  	_ =	strace $0x8FFFFFFF  }
0x99: {  	s19 =	sld [smem:$0x3FDB];
	_ =	sdelay $0x1  }
0x9a: {  	s5 =	simm.s32 $_scs_section_size  }
0x9b: {  	s6 =	simm.s32 $_size__tile_overlayer_lowered;
	s7 =	simm.s32 $_tile_overlayer_lowered  }
0x9c: {  	s22 =	simm.s32 $0x1BFF;
	s21 =	sshll.u32 s7, $0x1;
	s4 =	sadd.s32 s5, s19  }
0x9d: {  	s8 =	simm.s32 $0x0;
	s20 =	sshll.u32 s6, $0x1;
	s6 =	sadd.s32 s21, s4  }
0x9e: {  	[timem:s8], [sflag:s22] =	dma.local [hbm:s6], s20  }
0x9f: {  	_ =	swait.ge [sflag:s22], s20  }
0xa0: {  	s5 =	ssub.s32 $0x0, s20;
	[sflag:s22] =	ssyncset.done $0x0  }
0xa1: {  	[sflag:s22] =	ssyncadd.s32 s5;
	_ =	sdelay $0x1  }
0xa2: {  	s23 =	simm.s32 $0x1B8B  }
0xa3: {  	_ =	swait.ge [sflag:s23], $0x1  }
0xa4: {  	[sflag:s23] =	ssyncset.done $0x0  }
0xa5: {  	s25 =	simm.s32 $0x1B8E;
	s24 =	sld [smem:$0x3FFE];
	[sflag:s23] =	ssyncadd.s32 $0xFFFFFFFF  }
0xa6: {  	s26 =	simm.s32 $execute0_lowered;
	[smem:$0x3FD2] =	sst s25  }
0xa7: {  	s6 =	sshll.u32 s26, $0x1;
	_ =	strace $0x80000046;
	[dreg:$0x1] =	wrdreg $0xFFFFFFFF  }
0xa8: {  	s28 =	simm.s32 $_size_execute0_lowered;
	s4 =	sadd.s32 s4, s6;
	[dreg:$0x0] =	wrdreg $0x0  }
0xa9: {  	s6 =	sshll.u32 s28, $0x1;
	[dreg:$0x2] =	wrdreg s4  }
0xaa: {  	[dreg:$0x3] =	wrdreg s6  }
0xab: {  	[dreg:$0x4] =	wrdreg $0xC0  }
0xac: {  	_ =	task [dreg:s8], $0x5FFFF  }
0xad: {  	[dreg:$0x1] =	wrdreg $0xFFFFFFFF  }
0xae: {  	[dreg:$0x0] =	wrdreg $0x60  }
0xaf: {  	[dreg:$0x2] =	wrdreg s24  }
0xb0: {  	[dreg:$0x3] =	wrdreg s2  }
0xb1: {  	[dreg:$0x4] =	wrdreg s18  }
0xb2: {  	[dreg:$0x5] =	wrdreg $0x28800  }
0xb3: {  	[dreg:$0x6] =	wrdreg $0x9  }
0xb4: {  	_ =	task.clear_ibuf [dreg:s8], $0x7FFFF;
	_ =	strace $0x90000046  }
0xb5: {  	s29 =	simm.s32 $0x9;
	_ =	strace $0x80000048  }
0xb6: {  	_ =	swait.ge [sflag:s29], $0x1  }
0xb7: {  	[sflag:s29] =	ssyncadd.s32 $0xFFFFFFFF  }
0xb8: {  	_ =	strace $0x90000048  }
0xb9: {  	_ =	sfence  }
0xba: {  	s30 =	sld [smem:$0x0];
	_ =	sdelay $0x2  }
0xbb: {  	s31 =	sshll.u32 s1, $0xD;
	s1 =	sshrl.u32 s1, $0x2  }
0xbc: {  	s3 =	sand.u32 $0x4000, s31;
	s1 =	sadd.s32 s1, s30  }
0xbd: {  	s0 =	sor.u32 s3, s0;
	s1 =	sshll.u32 s1, $0x11  }
0xbe: {  	s0 =	sor.u32 s1, s0  }
0xbf: {  	s0 =	sadd.s32 $0x8F2B, s0  }
0xc0: {  	[sflag:s0] =	ssyncadd.remote.s32 $0x1  }
0xc1: {  	_ =	sfence.sel $0xFFFF  }
0xc2: {  	[dreg:$0x0] =	wrdreg $0xFFFFFFFF;
	(pc) =	sbr.abs _section_cstart, $3  }
0xc3: {  	[dreg:$0x1] =	wrdreg $0xFFFFFFFF  }
0xc4: {  	_ =	task.clear_ibuf [dreg:s8], $0x2FFFF;
	_ =	strace $0x9FFFFFFF  }
0xc5: {  	(tm) =	ssettm $0x7FFFFFFF  }
tec
execute0_lowered:
.L_overlay_start_1:
0x0: {  	(tag) =	ssettag $0x1  }
0x1: {  	s4 =	rddreg [dreg:$0x0]  }
0x2: {  	s9 =	rddreg [dreg:$0x1];
	s1 =	stileid.u32  }
0x3: {  	s5 =	rddreg [dreg:$0x2];
	s7 =	smul.u32 $0xC800, s1  }
0x4: {  	s6 =	srdreg.scid;
	s29 =	smul.u32 $0x1600, s1  }
0x5: {  	s2 =	rddreg [dreg:$0x3];
	s6 =	sand.u32 $0x1, s6;
	s14 =	smul.u32 $0xDC00, s1  }
0x6: {  	s0 =	rddreg [dreg:$0x4];
	s3 =	simm.s32 $0x0;
	s8 =	smul.u32 $0xDC000, s6  }
0x7: {  	[smem:$0x7FF] =	sst s3;
	s30 =	sshll.u32 s1, $0x6;
	s12 =	smul.u32 $0xC8000, s6  }
0x8: {  	_ =	strace $0x80000047;
	s11 =	ssub.s32 $0x2, s6;
	s28 =	smul.u32 $0x16000, s6  }
0x9: {  	s6 =	sor.u32 $0x1C01, s30;
	s10 =	sshrl.u32 s7, $0x3;
	s25 =	sshrl.u32 s11, $0x1  }
0xa: {  	s13 =	sadd.s32 s7, s2;
	s8 =	sadd.s32 s8, s4;
	s10 =	sadd.s32 s10, s4  }
0xb: {  	s11 =	ssub.s32 s11, s25;
	s26 =	sadd.s32 s7, s12;
	s31 =	sadd.s32 s29, s28  }
0xc: {  	s12 =	simm.s32 $0x80;
	s4 =	sshrl.u32 s26, $0x3;
	s7 =	smax.u32 s11, $0x1  }
0xd: {  	s8 =	sadd.s32 s14, s8;
	s11 =	simm.s32 $0x1;
	s4 =	sadd.s32 s5, s4  }
0xe: {  	s5 =	sadd.s32 $0x600, s10;
	s10 =	sshrl.u32 s31, $0x3;
	s8 =	sadd.s32 $0x2C0600, s8  }
0xf: {  	s9 =	sadd.s32 s10, s9;
	s10 =	sshrl.u32 s13, $0x3;
	s13 =	simm.s32 $0x0  }
.LBB2_1:
0x10: {  	[spmem:s10], [sflag:s6] =	dma.local [hbm:s5], $0x1900  }
0x11: {  	_ =	swait.ge [sflag:s11], $0x1900  }
0x12: {  	[sflag:s11] =	ssyncset.done $0x0  }
0x13: {  	[sflag:s11] =	ssyncadd.s32 $0xFFFFE700  }
0x14: {  	s14 =	sadd.s32 $0x0, s9;
	[bflag:$0x0] =	sbarrier.arrive $0xFFFF  }
0x15: {  	[tilespmem:s3], [sflag:$0x1] =	stream.linear.gather [hbm4b:s14+s3], $0x80, $0x38;
	[tilespmem:$0xF080] =	vst v63  }
0x16: {  	_ =	swait.ge [sflag:s11], $0x80  }
0x17: {  	[sflag:s11] =	ssyncset.done $0x0  }
0x18: {  	[sflag:s11] =	ssyncadd.s32 $0xFFFFFF80  }
0x19: {  	[tilespmem:s12], [sflag:$0x1] =	stream.linear.gather [hbm4b:s8+s3], $0x2800, $0x38;
	[tilespmem:$0xF080] =	vst v63  }
0x1a: {  	_ =	swait.ge [sflag:s11], $0x2800  }
0x1b: {  	[sflag:s11] =	ssyncset.done $0x0  }
0x1c: {  	[sflag:s11] =	ssyncadd.s32 $0xFFFFD800  }
0x1d: {  	[spmem:s2] =	stream.indirect.scatter.add.f32 [tilespmem:s12], [sflag:$0x1], $0x50, s3, s12, $0xb8;
	[tilespmem:$0xF080] =	vst v63  }
0x1e: {  	s15 =	simm.s32 $0x10;
	_ =	swait.ge [sflag:s11], $0x2800  }
0x1f: {  	s16 =	simm.s32 $0x20;
	s14 =	sadd.s32 $0x500, s8;
	[sflag:s11] =	ssyncset.done $0x0  }
.LBB2_2:
0x20: {  	s17 =	sadd.s32 s15, s9  }
0x21: {  	[sflag:s11] =	ssyncadd.s32 $0xFFFFD800;
	s15 =	smov.u32 s16;
	s18 =	sadd.s32 $0x10, s16  }
0x22: {  	[tilespmem:s3], [sflag:$0x1] =	stream.linear.gather [hbm4b:s17+s3], $0x80, $0x38;
	[tilespmem:$0xF080] =	vst v63  }
0x23: {  	p0 =	sne.s32 s16, $0x2B0;
	_ =	swait.ge [sflag:s11], $0x80  }
0x24: {  	[sflag:s11] =	ssyncset.done $0x0  }
0x25: {  	[sflag:s11] =	ssyncadd.s32 $0xFFFFFF80  }
0x26: {  	[tilespmem:s12], [sflag:$0x1] =	stream.linear.gather [hbm4b:s14+s3], $0x2800, $0x38;
	[tilespmem:$0xF080] =	vst v63  }
0x27: {  	_ =	swait.ge [sflag:s11], $0x2800  }
.Ltmp0:
0x28: {  	[sflag:s11] =	ssyncset.done $0x0;
	(pc) =	sbr.rel @p0 .LBB2_2-.Ltmp0, $4  }
0x29: {  	[sflag:s11] =	ssyncadd.s32 $0xFFFFD800  }
0x2a: {  	[spmem:s2] =	stream.indirect.scatter.add.f32 [tilespmem:s12], [sflag:$0x1], $0x50, s3, s12, $0xb8;
	[tilespmem:$0xF080] =	vst v63  }
0x2b: {  	_ =	swait.ge [sflag:s11], $0x2800  }
0x2c: {  	s16 =	smov.u32 s18;
	s14 =	sadd.s32 $0x500, s14;
	[sflag:s11] =	ssyncset.done $0x0  }
0x2d: {  	s15 =	sadd.s32 s15, s9;
	[sflag:s11] =	ssyncadd.s32 $0xFFFFD800  }
0x2e: {  	[tilespmem:s3], [sflag:$0x1] =	stream.linear.gather [hbm4b:s15+s3], $0x80, $0x38;
	[tilespmem:$0xF080] =	vst v63  }
0x2f: {  	_ =	swait.ge [sflag:s11], $0x80  }
0x30: {  	[sflag:s11] =	ssyncset.done $0x0  }
0x31: {  	[sflag:s11] =	ssyncadd.s32 $0xFFFFFF80  }
0x32: {  	[tilespmem:s12], [sflag:$0x1] =	stream.linear.gather [hbm4b:s14+s3], $0x2800, $0x38;
	[tilespmem:$0xF080] =	vst v63  }
0x33: {  	_ =	swait.ge [sflag:s11], $0x2800  }
0x34: {  	[sflag:s11] =	ssyncset.done $0x0  }
0x35: {  	[sflag:s11] =	ssyncadd.s32 $0xFFFFD800  }
0x36: {  	[spmem:s2] =	stream.indirect.scatter.add.f32 [tilespmem:s12], [sflag:$0x1], $0x50, s3, s12, $0xb8;
	[tilespmem:$0xF080] =	vst v63  }
0x37: {  	_ =	swait.ge [sflag:s11], $0x2800  }
0x38: {  	s13 =	sadd.s32 $0x1, s13;
	[sflag:s11] =	ssyncset.done $0x0  }
0x39: {  	p0 =	sne.s32 s13, s7;
	[sflag:s11] =	ssyncadd.s32 $0xFFFFD800  }
.Ltmp1:
0x3a: {  	[bflag:$0x0] =	sbarrier.arrive $0xFFFF;
	(pc) =	sbr.rel @p0 .LBB2_1-.Ltmp1, $4  }
0x3b: {  	[hbm:s4], [sflag:s6] =	dma.local [spmem:s10], $0x1900  }
0x3c: {  	_ =	swait.ge [sflag:s11], $0x1900  }
0x3d: {  	[sflag:s11] =	ssyncset.done $0x0  }
0x3e: {  	[sflag:s11] =	ssyncadd.s32 $0xFFFFE700  }
0x3f: {  	_ =	sfence.sel $0x180000  }
0x40: {  	[bflag:$0x0] =	sbarrier.arrive $0xFFFF  }
0x41: {  	p0 =	sne.s32 s1, $0x0;
	_ =	strace $0x90000047  }
0x42: {  	s0 =	sadd.s32 @!p0 $0x100000, s0;
	[bflag:$0x2] =	sbarrier.arrive $0xFFFF  }
0x43: {  	[sflag:s0] =	ssyncadd.tile.s32 @!p0 $0x1;
	_ =	shalt  }
.Lfunc_end2:
_tile_overlayer_lowered:
.L_overlay_start_2:
0x44: {  	(tag) =	ssettag $0x2  }
0x45: {  	s0 =	rddreg [dreg:$0x0];
	s2 =	stileid.u32  }
0x46: {  	s1 =	rddreg [dreg:$0x1];
	p0 =	sne.s32 s2, $0x0  }
0x47: {  	s3 =	rddreg [dreg:$0x2];
	[bflag:$0x3] =	sbarrier.arrive $0xFFFF;
	s2 =	simm.s32 @!p0 $0x1C01  }
0x48: {  	[timem:s3], [sflag:s2] =	dma.local @!p0 [hbm:s0], s1  }
0x49: {  	s0 =	simm.s32 @!p0 $0x1  }
0x4a: {  	_ =	swait.ge @!p0 [sflag:s0], s1  }
0x4b: {  	s1 =	ssub.s32 @!p0 $0x0, s1;
	[sflag:s0] =	ssyncset.done @!p0 $0x0  }
0x4c: {  	[sflag:s0] =	ssyncadd.s32 @!p0 s1  }
0x4d: {  	[bflag:$0x3] =	sbarrier.arrive $0xFFFF  }
0x4e: {  	_ =	shalt  }

</sc_bundles>
